<compile_context>
chip_gen: v7x
topology: tpu7x:2x2x1
jax: 0.10.2.dev20260603
libtpu: 0.0.44.dev20260713+nightly
codegen_flags: <defaults>
</compile_context>

<pallas_src>
import functools

import numpy as np
import jax
import jax.numpy as jnp
from jax import lax
from jax.experimental import pallas as pl
from jax.experimental.pallas import tpu as pltpu
from jax.experimental.pallas import tpu_sc as plsc


def _sc_gather(table, idx_grouped, B, D, NC, NS):
    NW, nchunk, ch = idx_grouped.shape
    mesh = plsc.VectorSubcoreMesh(core_axis_name="c", subcore_axis_name="s")

    @functools.partial(
        pl.kernel,
        out_type=jax.ShapeDtypeStruct((B, D), jnp.float32),
        mesh=mesh,
        scratch_types=[
            pltpu.VMEM((nchunk, ch), jnp.int32),
            pltpu.VMEM((ch, D), jnp.float32),
            pltpu.SemaphoreType.DMA,
        ],
    )
    def gather(table_hbm, idx_hbm, out_hbm, idx_v, rows_v, sem):
        wid = lax.axis_index("s") * NC + lax.axis_index("c")
        pltpu.sync_copy(idx_hbm.at[wid], idx_v)
        base = wid * (nchunk * ch)

        def body(k, _):
            pltpu.async_copy(table_hbm.at[idx_v.at[k]], rows_v, sem).wait()
            pltpu.sync_copy(rows_v, out_hbm.at[pl.ds(base + k * ch, ch)])
            return _

        lax.fori_loop(0, nchunk, body, None)

    return gather(table, idx_grouped)


def _fuse(x, emb2d, G, N, BB):
    b, c, S = x.shape

    def body(x_ref, emb_ref, g_ref, out_ref):
        out_ref[:, :c, :] = x_ref[...]
        for j in range(BB):
            out_ref[j, c:, :] = lax.dot_general(
                emb_ref[pl.ds(j * N, N), :],
                g_ref[...],
                (((0,), (0,)), ((), ())),
                preferred_element_type=jnp.float32,
                precision=lax.Precision.HIGHEST,
            )

    return pl.pallas_call(
        body,
        grid=(b // BB,),
        in_specs=[
            pl.BlockSpec((BB, c, S), lambda i: (i, 0, 0)),
            pl.BlockSpec((BB * N, c), lambda i: (i, 0)),
            pl.BlockSpec((N, S), lambda i: (0, 0)),
        ],
        out_specs=pl.BlockSpec((BB, 2 * c, S), lambda i: (i, 0, 0)),
        out_shape=jax.ShapeDtypeStruct((b, 2 * c, S), jnp.float32),
    )(x, emb2d, G)


def kernel(x, codes, W_emb):
    b, c, S = x.shape
    _, N = codes.shape
    V, D = W_emb.shape
    B = b * N

    info = plsc.get_sparse_core_info()
    NC, NS = info.num_cores, info.num_subcores
    NW = NC * NS
    per_w = B // NW
    ch = 64
    nchunk = per_w // ch

    idx = codes.reshape(NW, nchunk, ch).astype(jnp.int32)
    emb = _sc_gather(W_emb, idx, B, D, NC, NS)

    src = np.floor(np.arange(S) * (N / S)).astype(np.int32)
    G = jnp.asarray((src[None, :] == np.arange(N)[:, None]).astype(np.float32))

    return _fuse(x, emb, G, N, BB=32)

# --- scband reference (transcript-rebuilt; emitter-appended) ---
"""Pipeline reference for scband-discrete-spectrogram-conditioning-block-28862180229884 (READ-ONLY COPY).

The authoritative reference and input builder live on the scoring server;
editing this copy changes nothing except your own understanding.
"""

import jax, jax.numpy as jnp
import numpy as np

VOCAB = 100000
CHANNELS = 128


def setup_inputs(seed: int = 0) -> dict:
    key = jax.random.key(seed)
    k1, k2, k3 = jax.random.split(key, 3)
    x = jax.random.normal(k1, (1024, 128, 200), dtype=jnp.float32)
    codes = jax.random.randint(k2, (1024, 50), 0, VOCAB, dtype=jnp.int64)
    W_emb = jax.random.normal(k3, (VOCAB, CHANNELS), dtype=jnp.float32) * 0.02
    return {"x": x, "codes": codes, "W_emb": W_emb}


def reference(x, codes, W_emb):
    # x: [b, c, S], codes: [b, N]
    b, c, S = x.shape
    _, N = codes.shape
    # embedding lookup (gather)
    emb = jnp.take(W_emb, codes, axis=0)           # [b, N, c]
    emb = jnp.transpose(emb, (0, 2, 1))            # [b, c, N]
    # nearest-neighbor interpolate along last dim: N -> S (PyTorch 'nearest')
    src_idx = jnp.floor(jnp.arange(S) * (N / S)).astype(jnp.int32)  # [S]
    emb_up = jnp.take(emb, src_idx, axis=2)        # [b, c, S]
    return jnp.concatenate([x, emb_up], axis=1)    # [b, 2c, S]

if __name__ == "__main__":
    import jax
    _d = setup_inputs()
    print(jax.jit(kernel)(*tuple(_d.values())))

</pallas_src>

<mosaic_0001>
#map = affine_map<(d0, d1) -> (0, 0)>
#map1 = affine_map<(d0, d1) -> (0, 0, 0)>
module attributes {stable_mosaic.version = 14 : i64} {
  func.func @gather(%arg0: i32, %arg1: i32, %arg2: memref<100000x128xf32, #tpu.memory_space<hbm>>, %arg3: memref<32x25x64xi32, #tpu.memory_space<hbm>>, %arg4: memref<51200x128xf32, #tpu.memory_space<hbm>>, %arg5: memref<25x64xi32, #tpu.memory_space<vmem>>, %arg6: memref<64x128xf32, #tpu.memory_space<vmem>>, %arg7: memref<!tpu.dma_semaphore, #tpu.memory_space<semaphore_mem>>) attributes {dimension_semantics = [#tpu.dimension_semantics<core_parallel>, #tpu.dimension_semantics<subcore_parallel>], iteration_bounds = array<i64: 2, 16>, scalar_prefetch = 0 : i64, scratch_operands = 3 : i64, tpu.core_type = #tpu.core_type<sc_vector_subcore>, window_params = [{transform_indices = #map}, {transform_indices = #map1}, {transform_indices = #map}]} {
    %mul3A = arith.constant 2 : i32
    %mul3A_0 = arith.muli %arg1, %mul3A : i32
    %add3A = arith.addi %mul3A_0, %arg0 : i32
    "tpu.region"() ({
      %run_scoped3A = tpu.sem_alloc : memref<!tpu.dma_semaphore, #tpu.memory_space<semaphore_mem>>
      %dma_start3A = arith.constant 0 : i32
      %dma_start3A_7 = arith.constant 0 : i32
      %dma_start3A_8 = tpu.memref_slice %arg3[%add3A, %dma_start3A, %dma_start3A_7] : memref<32x25x64xi32, #tpu.memory_space<hbm>> -> memref<1x25x64xi32, #tpu.memory_space<hbm>>
      %dma_start3A_9 = tpu.memref_squeeze %dma_start3A_8 : memref<1x25x64xi32, #tpu.memory_space<hbm>> -> memref<25x64xi32, #tpu.memory_space<hbm>>
      %dma_start3A_10 = arith.constant 0 : i32
      %dma_start3A_11 = arith.constant 0 : i32
      %dma_start3A_12 = tpu.memref_slice %arg3[%add3A, %dma_start3A_10, %dma_start3A_11] : memref<32x25x64xi32, #tpu.memory_space<hbm>> -> memref<1x25x64xi32, #tpu.memory_space<hbm>>
      %dma_start3A_13 = tpu.memref_squeeze %dma_start3A_12 : memref<1x25x64xi32, #tpu.memory_space<hbm>> -> memref<25x64xi32, #tpu.memory_space<hbm>>
      tpu.enqueue_dma source(%dma_start3A_13 : memref<25x64xi32, #tpu.memory_space<hbm>>) target(%arg5 : memref<25x64xi32, #tpu.memory_space<vmem>>) target_semaphore(%run_scoped3A : memref<!tpu.dma_semaphore, #tpu.memory_space<semaphore_mem>>)
      %dma_wait3A = arith.constant 0 : i32
      %dma_wait3A_14 = arith.constant 0 : i32
      %dma_wait3A_15 = tpu.memref_slice %arg3[%add3A, %dma_wait3A, %dma_wait3A_14] : memref<32x25x64xi32, #tpu.memory_space<hbm>> -> memref<1x25x64xi32, #tpu.memory_space<hbm>>
      %dma_wait3A_16 = tpu.memref_squeeze %dma_wait3A_15 : memref<1x25x64xi32, #tpu.memory_space<hbm>> -> memref<25x64xi32, #tpu.memory_space<hbm>>
      %dma_wait3A_17 = arith.constant 0 : i32
      %dma_wait3A_18 = arith.constant 0 : i32
      %dma_wait3A_19 = tpu.memref_slice %arg3[%add3A, %dma_wait3A_17, %dma_wait3A_18] : memref<32x25x64xi32, #tpu.memory_space<hbm>> -> memref<1x25x64xi32, #tpu.memory_space<hbm>>
      %dma_wait3A_20 = tpu.memref_squeeze %dma_wait3A_19 : memref<1x25x64xi32, #tpu.memory_space<hbm>> -> memref<25x64xi32, #tpu.memory_space<hbm>>
      tpu.wait_dma2 semaphore(%run_scoped3A : memref<!tpu.dma_semaphore, #tpu.memory_space<semaphore_mem>>) src(%dma_wait3A_20 : memref<25x64xi32, #tpu.memory_space<hbm>>) dst(%arg5 : memref<25x64xi32, #tpu.memory_space<vmem>>)
      tpu.yield
    }) : () -> ()
    %mul3A_1 = arith.constant 1600 : i32
    %mul3A_2 = arith.muli %add3A, %mul3A_1 : i32
    %scan3A = arith.constant 0 : i32
    %scan3A_3 = arith.constant 25 : i32
    %scan3A_4 = arith.addi %scan3A, %scan3A_3 : i32
    %scan3A_5 = arith.constant 1 : i32
    scf.for %scan3A_7 = %scan3A to %scan3A_4 step %scan3A_5  : i32 {
      %dma_start3A = arith.constant 0 : i32
      %dma_start3A_8 = tpu.memref_slice %arg5[%scan3A_7, %dma_start3A] : memref<25x64xi32, #tpu.memory_space<vmem>> -> memref<1x64xi32, #tpu.memory_space<vmem>>
      %dma_start3A_9 = tpu.memref_squeeze %dma_start3A_8 : memref<1x64xi32, #tpu.memory_space<vmem>> -> memref<64xi32, #tpu.memory_space<vmem>>
      %dma_start3A_10 = arith.constant 0 : i32
      %dma_start3A_11 = arith.constant 0 : i32
      %dma_start3A_12 = tpu.memref_slice %arg2[%dma_start3A_10, %dma_start3A_11] : memref<100000x128xf32, #tpu.memory_space<hbm>> -> memref<100000x128xf32, #tpu.memory_space<hbm>>
      tpu.enqueue_indirect_dma source(%dma_start3A_12 : memref<100000x128xf32, #tpu.memory_space<hbm>>) target(%arg6 : memref<64x128xf32, #tpu.memory_space<vmem>>) offsets(%dma_start3A_9 : memref<64xi32, #tpu.memory_space<vmem>>) semaphore(%arg7 : memref<!tpu.dma_semaphore, #tpu.memory_space<semaphore_mem>>)
      %dma_wait3A = arith.constant 0 : i32
      %dma_wait3A_13 = tpu.memref_slice %arg5[%scan3A_7, %dma_wait3A] : memref<25x64xi32, #tpu.memory_space<vmem>> -> memref<1x64xi32, #tpu.memory_space<vmem>>
      %dma_wait3A_14 = tpu.memref_squeeze %dma_wait3A_13 : memref<1x64xi32, #tpu.memory_space<vmem>> -> memref<64xi32, #tpu.memory_space<vmem>>
      %dma_wait3A_15 = arith.constant 0 : i32
      %dma_wait3A_16 = arith.constant 0 : i32
      %dma_wait3A_17 = tpu.memref_slice %arg2[%dma_wait3A_15, %dma_wait3A_16] : memref<100000x128xf32, #tpu.memory_space<hbm>> -> memref<100000x128xf32, #tpu.memory_space<hbm>>
      tpu.wait_indirect_dma semaphore(%arg7 : memref<!tpu.dma_semaphore, #tpu.memory_space<semaphore_mem>>) src(%dma_wait3A_17 : memref<100000x128xf32, #tpu.memory_space<hbm>>) dst(%arg6 : memref<64x128xf32, #tpu.memory_space<vmem>>)
      %mul3A_18 = arith.constant 64 : i32
      %mul3A_19 = arith.muli %scan3A_7, %mul3A_18 : i32
      %add3A_20 = arith.addi %mul3A_2, %mul3A_19 : i32
      "tpu.region"() ({
        %run_scoped3A = tpu.sem_alloc : memref<!tpu.dma_semaphore, #tpu.memory_space<semaphore_mem>>
        %dma_start3A_21 = arith.constant 0 : i32
        %dma_start3A_22 = tpu.memref_slice %arg4[%add3A_20, %dma_start3A_21] : memref<51200x128xf32, #tpu.memory_space<hbm>> -> memref<64x128xf32, #tpu.memory_space<hbm>>
        %dma_start3A_23 = arith.constant 0 : i32
        %dma_start3A_24 = tpu.memref_slice %arg4[%add3A_20, %dma_start3A_23] : memref<51200x128xf32, #tpu.memory_space<hbm>> -> memref<64x128xf32, #tpu.memory_space<hbm>>
        tpu.enqueue_dma source(%arg6 : memref<64x128xf32, #tpu.memory_space<vmem>>) target(%dma_start3A_24 : memref<64x128xf32, #tpu.memory_space<hbm>>) target_semaphore(%run_scoped3A : memref<!tpu.dma_semaphore, #tpu.memory_space<semaphore_mem>>)
        %dma_wait3A_25 = arith.constant 0 : i32
        %dma_wait3A_26 = tpu.memref_slice %arg4[%add3A_20, %dma_wait3A_25] : memref<51200x128xf32, #tpu.memory_space<hbm>> -> memref<64x128xf32, #tpu.memory_space<hbm>>
        %dma_wait3A_27 = arith.constant 0 : i32
        %dma_wait3A_28 = tpu.memref_slice %arg4[%add3A_20, %dma_wait3A_27] : memref<51200x128xf32, #tpu.memory_space<hbm>> -> memref<64x128xf32, #tpu.memory_space<hbm>>
        tpu.wait_dma2 semaphore(%run_scoped3A : memref<!tpu.dma_semaphore, #tpu.memory_space<semaphore_mem>>) src(%arg6 : memref<64x128xf32, #tpu.memory_space<vmem>>) dst(%dma_wait3A_28 : memref<64x128xf32, #tpu.memory_space<hbm>>)
        tpu.yield
      }) : () -> ()
    }
    %scan3A_6 = arith.constant 25 : i32
    return
  }
}

module attributes {stable_mosaic.version = 14 : i64} {
  func.func @body(%arg0: i32, %arg1: memref<32x128x200xf32, #tpu.memory_space<vmem>>, %arg2: memref<1600x128xf32, #tpu.memory_space<vmem>>, %arg3: memref<50x200xf32, #tpu.memory_space<vmem>>, %arg4: memref<32x256x200xf32, #tpu.memory_space<vmem>>) attributes {dimension_semantics = [#tpu.dimension_semantics<arbitrary>], iteration_bounds = array<i64: 32>, scalar_prefetch = 0 : i64, scratch_operands = 0 : i64, tpu.core_type = #tpu.core_type<tc>, window_params = [{transform_indices = @transform_0, window_bounds = array<i64: 32, 128, 200>}, {transform_indices = @transform_1, window_bounds = array<i64: 1600, 128>}, {pipeline_mode = #tpu.pipeline_mode<synchronous>, transform_indices = @transform_2, window_bounds = array<i64: 50, 200>}, {transform_indices = @transform_3, window_bounds = array<i64: 32, 256, 200>}]} {
    %get3A = arith.constant 0 : index
    %get3A_0 = arith.constant 0 : index
    %get3A_1 = arith.constant 0 : index
    %get3A_2 = vector.load %arg1[%get3A, %get3A_0, %get3A_1] : memref<32x128x200xf32, #tpu.memory_space<vmem>>, vector<32x128x200xf32>
    %swap3A = arith.constant 0 : index
    %swap3A_3 = arith.constant 0 : index
    %swap3A_4 = arith.constant 0 : index
    %swap3A_5 = vector.load %arg4[%swap3A, %swap3A_3, %swap3A_4] : memref<32x256x200xf32, #tpu.memory_space<vmem>>, vector<32x128x200xf32>
    tpu.vector_store %arg4[%swap3A, %swap3A_3, %swap3A_4], %get3A_2 {strides = array<i32>} : memref<32x256x200xf32, #tpu.memory_space<vmem>>, vector<32x128x200xf32>,
    %get3A_6 = arith.constant 0 : index
    %get3A_7 = arith.constant 0 : index
    %get3A_8 = vector.load %arg2[%get3A_6, %get3A_7] : memref<1600x128xf32, #tpu.memory_space<vmem>>, vector<50x128xf32>
    %get3A_9 = arith.constant 0 : index
    %get3A_10 = arith.constant 0 : index
    %get3A_11 = vector.load %arg3[%get3A_9, %get3A_10] : memref<50x200xf32, #tpu.memory_space<vmem>>, vector<50x200xf32>
    %dot_general3A = arith.constant dense<0.000000e+00> : vector<128x200xf32>
    %dot_general3A_12 = tpu.matmul %get3A_8, %get3A_11, %dot_general3A {dimension_numbers = #tpu.dot_dimension_numbers<[0], [0], [1], [1], [0, 1, 1, 1], [], []>, precision = #tpu.contract_precision<fp32>, transpose_lhs_hint = false} : vector<50x128xf32>, vector<50x200xf32>, vector<128x200xf32> -> vector<128x200xf32>
    %swap3A_13 = arith.constant 0 : index
    %swap3A_14 = arith.constant 128 : index
    %swap3A_15 = arith.constant 0 : index
    %swap3A_16 = vector.load %arg4[%swap3A_13, %swap3A_14, %swap3A_15] : memref<32x256x200xf32, #tpu.memory_space<vmem>>, vector<1x128x200xf32>
    %swap3A_17 = vector.shape_cast %swap3A_16 : vector<1x128x200xf32> to vector<128x200xf32>
    %swap3A_18 = vector.shape_cast %dot_general3A_12 : vector<128x200xf32> to vector<1x128x200xf32>
    tpu.vector_store %arg4[%swap3A_13, %swap3A_14, %swap3A_15], %swap3A_18 {strides = array<i32>} : memref<32x256x200xf32, #tpu.memory_space<vmem>>, vector<1x128x200xf32>,
    %get3A_19 = arith.constant 50 : index
    %get3A_20 = arith.constant 0 : index
    %get3A_21 = vector.load %arg2[%get3A_19, %get3A_20] : memref<1600x128xf32, #tpu.memory_space<vmem>>, vector<50x128xf32>
    %get3A_22 = arith.constant 0 : index
    %get3A_23 = arith.constant 0 : index
    %get3A_24 = vector.load %arg3[%get3A_22, %get3A_23] : memref<50x200xf32, #tpu.memory_space<vmem>>, vector<50x200xf32>
    %dot_general3A_25 = arith.constant dense<0.000000e+00> : vector<128x200xf32>
    %dot_general3A_26 = tpu.matmul %get3A_21, %get3A_24, %dot_general3A_25 {dimension_numbers = #tpu.dot_dimension_numbers<[0], [0], [1], [1], [0, 1, 1, 1], [], []>, precision = #tpu.contract_precision<fp32>, transpose_lhs_hint = false} : vector<50x128xf32>, vector<50x200xf32>, vector<128x200xf32> -> vector<128x200xf32>
    %swap3A_27 = arith.constant 1 : index
    %swap3A_28 = arith.constant 128 : index
    %swap3A_29 = arith.constant 0 : index
    %swap3A_30 = vector.load %arg4[%swap3A_27, %swap3A_28, %swap3A_29] : memref<32x256x200xf32, #tpu.memory_space<vmem>>, vector<1x128x200xf32>
    %swap3A_31 = vector.shape_cast %swap3A_30 : vector<1x128x200xf32> to vector<128x200xf32>
    %swap3A_32 = vector.shape_cast %dot_general3A_26 : vector<128x200xf32> to vector<1x128x200xf32>
    tpu.vector_store %arg4[%swap3A_27, %swap3A_28, %swap3A_29], %swap3A_32 {strides = array<i32>} : memref<32x256x200xf32, #tpu.memory_space<vmem>>, vector<1x128x200xf32>,
    %get3A_33 = arith.constant 100 : index
    %get3A_34 = arith.constant 0 : index
    %get3A_35 = vector.load %arg2[%get3A_33, %get3A_34] : memref<1600x128xf32, #tpu.memory_space<vmem>>, vector<50x128xf32>
    %get3A_36 = arith.constant 0 : index
    %get3A_37 = arith.constant 0 : index
    %get3A_38 = vector.load %arg3[%get3A_36, %get3A_37] : memref<50x200xf32, #tpu.memory_space<vmem>>, vector<50x200xf32>
    %dot_general3A_39 = arith.constant dense<0.000000e+00> : vector<128x200xf32>
    %dot_general3A_40 = tpu.matmul %get3A_35, %get3A_38, %dot_general3A_39 {dimension_numbers = #tpu.dot_dimension_numbers<[0], [0], [1], [1], [0, 1, 1, 1], [], []>, precision = #tpu.contract_precision<fp32>, transpose_lhs_hint = false} : vector<50x128xf32>, vector<50x200xf32>, vector<128x200xf32> -> vector<128x200xf32>
    %swap3A_41 = arith.constant 2 : index
    %swap3A_42 = arith.constant 128 : index
    %swap3A_43 = arith.constant 0 : index
    %swap3A_44 = vector.load %arg4[%swap3A_41, %swap3A_42, %swap3A_43] : memref<32x256x200xf32, #tpu.memory_space<vmem>>, vector<1x128x200xf32>
    %swap3A_45 = vector.shape_cast %swap3A_44 : vector<1x128x200xf32> to vector<128x200xf32>
    %swap3A_46 = vector.shape_cast %dot_general3A_40 : vector<128x200xf32> to vector<1x128x200xf32>
    tpu.vector_store %arg4[%swap3A_41, %swap3A_42, %swap3A_43], %swap3A_46 {strides = array<i32>} : memref<32x256x200xf32, #tpu.memory_space<vmem>>, vector<1x128x200xf32>,
    %get3A_47 = arith.constant 150 : index
    %get3A_48 = arith.constant 0 : index
    %get3A_49 = vector.load %arg2[%get3A_47, %get3A_48] : memref<1600x128xf32, #tpu.memory_space<vmem>>, vector<50x128xf32>
    %get3A_50 = arith.constant 0 : index
    %get3A_51 = arith.constant 0 : index
    %get3A_52 = vector.load %arg3[%get3A_50, %get3A_51] : memref<50x200xf32, #tpu.memory_space<vmem>>, vector<50x200xf32>
    %dot_general3A_53 = arith.constant dense<0.000000e+00> : vector<128x200xf32>
    %dot_general3A_54 = tpu.matmul %get3A_49, %get3A_52, %dot_general3A_53 {dimension_numbers = #tpu.dot_dimension_numbers<[0], [0], [1], [1], [0, 1, 1, 1], [], []>, precision = #tpu.contract_precision<fp32>, transpose_lhs_hint = false} : vector<50x128xf32>, vector<50x200xf32>, vector<128x200xf32> -> vector<128x200xf32>
    %swap3A_55 = arith.constant 3 : index
    %swap3A_56 = arith.constant 128 : index
    %swap3A_57 = arith.constant 0 : index
    %swap3A_58 = vector.load %arg4[%swap3A_55, %swap3A_56, %swap3A_57] : memref<32x256x200xf32, #tpu.memory_space<vmem>>, vector<1x128x200xf32>
    %swap3A_59 = vector.shape_cast %swap3A_58 : vector<1x128x200xf32> to vector<128x200xf32>
    %swap3A_60 = vector.shape_cast %dot_general3A_54 : vector<128x200xf32> to vector<1x128x200xf32>
    tpu.vector_store %arg4[%swap3A_55, %swap3A_56, %swap3A_57], %swap3A_60 {strides = array<i32>} : memref<32x256x200xf32, #tpu.memory_space<vmem>>, vector<1x128x200xf32>,
    %get3A_61 = arith.constant 200 : index
    %get3A_62 = arith.constant 0 : index
    %get3A_63 = vector.load %arg2[%get3A_61, %get3A_62] : memref<1600x128xf32, #tpu.memory_space<vmem>>, vector<50x128xf32>
    %get3A_64 = arith.constant 0 : index
    %get3A_65 = arith.constant 0 : index
    %get3A_66 = vector.load %arg3[%get3A_64, %get3A_65] : memref<50x200xf32, #tpu.memory_space<vmem>>, vector<50x200xf32>
    %dot_general3A_67 = arith.constant dense<0.000000e+00> : vector<128x200xf32>
    %dot_general3A_68 = tpu.matmul %get3A_63, %get3A_66, %dot_general3A_67 {dimension_numbers = #tpu.dot_dimension_numbers<[0], [0], [1], [1], [0, 1, 1, 1], [], []>, precision = #tpu.contract_precision<fp32>, transpose_lhs_hint = false} : vector<50x128xf32>, vector<50x200xf32>, vector<128x200xf32> -> vector<128x200xf32>
    %swap3A_69 = arith.constant 4 : index
    %swap3A_70 = arith.constant 128 : index
    %swap3A_71 = arith.constant 0 : index
    %swap3A_72 = vector.load %arg4[%swap3A_69, %swap3A_70, %swap3A_71] : memref<32x256x200xf32, #tpu.memory_space<vmem>>, vector<1x128x200xf32>
    %swap3A_73 = vector.shape_cast %swap3A_72 : vector<1x128x200xf32> to vector<128x200xf32>
    %swap3A_74 = vector.shape_cast %dot_general3A_68 : vector<128x200xf32> to vector<1x128x200xf32>
    tpu.vector_store %arg4[%swap3A_69, %swap3A_70, %swap3A_71], %swap3A_74 {strides = array<i32>} : memref<32x256x200xf32, #tpu.memory_space<vmem>>, vector<1x128x200xf32>,
    %get3A_75 = arith.constant 250 : index
    %get3A_76 = arith.constant 0 : index
    %get3A_77 = vector.load %arg2[%get3A_75, %get3A_76] : memref<1600x128xf32, #tpu.memory_space<vmem>>, vector<50x128xf32>
    %get3A_78 = arith.constant 0 : index
    %get3A_79 = arith.constant 0 : index
    %get3A_80 = vector.load %arg3[%get3A_78, %get3A_79] : memref<50x200xf32, #tpu.memory_space<vmem>>, vector<50x200xf32>
    %dot_general3A_81 = arith.constant dense<0.000000e+00> : vector<128x200xf32>
    %dot_general3A_82 = tpu.matmul %get3A_77, %get3A_80, %dot_general3A_81 {dimension_numbers = #tpu.dot_dimension_numbers<[0], [0], [1], [1], [0, 1, 1, 1], [], []>, precision = #tpu.contract_precision<fp32>, transpose_lhs_hint = false} : vector<50x128xf32>, vector<50x200xf32>, vector<128x200xf32> -> vector<128x200xf32>
    %swap3A_83 = arith.constant 5 : index
    %swap3A_84 = arith.constant 128 : index
    %swap3A_85 = arith.constant 0 : index
    %swap3A_86 = vector.load %arg4[%swap3A_83, %swap3A_84, %swap3A_85] : memref<32x256x200xf32, #tpu.memory_space<vmem>>, vector<1x128x200xf32>
    %swap3A_87 = vector.shape_cast %swap3A_86 : vector<1x128x200xf32> to vector<128x200xf32>
    %swap3A_88 = vector.shape_cast %dot_general3A_82 : vector<128x200xf32> to vector<1x128x200xf32>
    tpu.vector_store %arg4[%swap3A_83, %swap3A_84, %swap3A_85], %swap3A_88 {strides = array<i32>} : memref<32x256x200xf32, #tpu.memory_space<vmem>>, vector<1x128x200xf32>,
    %get3A_89 = arith.constant 300 : index
    %get3A_90 = arith.constant 0 : index
    %get3A_91 = vector.load %arg2[%get3A_89, %get3A_90] : memref<1600x128xf32, #tpu.memory_space<vmem>>, vector<50x128xf32>
    %get3A_92 = arith.constant 0 : index
    %get3A_93 = arith.constant 0 : index
    %get3A_94 = vector.load %arg3[%get3A_92, %get3A_93] : memref<50x200xf32, #tpu.memory_space<vmem>>, vector<50x200xf32>
    %dot_general3A_95 = arith.constant dense<0.000000e+00> : vector<128x200xf32>
    %dot_general3A_96 = tpu.matmul %get3A_91, %get3A_94, %dot_general3A_95 {dimension_numbers = #tpu.dot_dimension_numbers<[0], [0], [1], [1], [0, 1, 1, 1], [], []>, precision = #tpu.contract_precision<fp32>, transpose_lhs_hint = false} : vector<50x128xf32>, vector<50x200xf32>, vector<128x200xf32> -> vector<128x200xf32>
    %swap3A_97 = arith.constant 6 : index
    %swap3A_98 = arith.constant 128 : index
    %swap3A_99 = arith.constant 0 : index
    %swap3A_100 = vector.load %arg4[%swap3A_97, %swap3A_98, %swap3A_99] : memref<32x256x200xf32, #tpu.memory_space<vmem>>, vector<1x128x200xf32>
    %swap3A_101 = vector.shape_cast %swap3A_100 : vector<1x128x200xf32> to vector<128x200xf32>
    %swap3A_102 = vector.shape_cast %dot_general3A_96 : vector<128x200xf32> to vector<1x128x200xf32>
    tpu.vector_store %arg4[%swap3A_97, %swap3A_98, %swap3A_99], %swap3A_102 {strides = array<i32>} : memref<32x256x200xf32, #tpu.memory_space<vmem>>, vector<1x128x200xf32>,
    %get3A_103 = arith.constant 350 : index
    %get3A_104 = arith.constant 0 : index
    %get3A_105 = vector.load %arg2[%get3A_103, %get3A_104] : memref<1600x128xf32, #tpu.memory_space<vmem>>, vector<50x128xf32>
    %get3A_106 = arith.constant 0 : index
    %get3A_107 = arith.constant 0 : index
    %get3A_108 = vector.load %arg3[%get3A_106, %get3A_107] : memref<50x200xf32, #tpu.memory_space<vmem>>, vector<50x200xf32>
    %dot_general3A_109 = arith.constant dense<0.000000e+00> : vector<128x200xf32>
    %dot_general3A_110 = tpu.matmul %get3A_105, %get3A_108, %dot_general3A_109 {dimension_numbers = #tpu.dot_dimension_numbers<[0], [0], [1], [1], [0, 1, 1, 1], [], []>, precision = #tpu.contract_precision<fp32>, transpose_lhs_hint = false} : vector<50x128xf32>, vector<50x200xf32>, vector<128x200xf32> -> vector<128x200xf32>
    %swap3A_111 = arith.constant 7 : index
    %swap3A_112 = arith.constant 128 : index
    %swap3A_113 = arith.constant 0 : index
    %swap3A_114 = vector.load %arg4[%swap3A_111, %swap3A_112, %swap3A_113] : memref<32x256x200xf32, #tpu.memory_space<vmem>>, vector<1x128x200xf32>
    %swap3A_115 = vector.shape_cast %swap3A_114 : vector<1x128x200xf32> to vector<128x200xf32>
    %swap3A_116 = vector.shape_cast %dot_general3A_110 : vector<128x200xf32> to vector<1x128x200xf32>
    tpu.vector_store %arg4[%swap3A_111, %swap3A_112, %swap3A_113], %swap3A_116 {strides = array<i32>} : memref<32x256x200xf32, #tpu.memory_space<vmem>>, vector<1x128x200xf32>,
    %get3A_117 = arith.constant 400 : index
    %get3A_118 = arith.constant 0 : index
    %get3A_119 = vector.load %arg2[%get3A_117, %get3A_118] : memref<1600x128xf32, #tpu.memory_space<vmem>>, vector<50x128xf32>
    %get3A_120 = arith.constant 0 : index
    %get3A_121 = arith.constant 0 : index
    %get3A_122 = vector.load %arg3[%get3A_120, %get3A_121] : memref<50x200xf32, #tpu.memory_space<vmem>>, vector<50x200xf32>
    %dot_general3A_123 = arith.constant dense<0.000000e+00> : vector<128x200xf32>
    %dot_general3A_124 = tpu.matmul %get3A_119, %get3A_122, %dot_general3A_123 {dimension_numbers = #tpu.dot_dimension_numbers<[0], [0], [1], [1], [0, 1, 1, 1], [], []>, precision = #tpu.contract_precision<fp32>, transpose_lhs_hint = false} : vector<50x128xf32>, vector<50x200xf32>, vector<128x200xf32> -> vector<128x200xf32>
    %swap3A_125 = arith.constant 8 : index
    %swap3A_126 = arith.constant 128 : index
    %swap3A_127 = arith.constant 0 : index
    %swap3A_128 = vector.load %arg4[%swap3A_125, %swap3A_126, %swap3A_127] : memref<32x256x200xf32, #tpu.memory_space<vmem>>, vector<1x128x200xf32>
    %swap3A_129 = vector.shape_cast %swap3A_128 : vector<1x128x200xf32> to vector<128x200xf32>
    %swap3A_130 = vector.shape_cast %dot_general3A_124 : vector<128x200xf32> to vector<1x128x200xf32>
    tpu.vector_store %arg4[%swap3A_125, %swap3A_126, %swap3A_127], %swap3A_130 {strides = array<i32>} : memref<32x256x200xf32, #tpu.memory_space<vmem>>, vector<1x128x200xf32>,
    %get3A_131 = arith.constant 450 : index
    %get3A_132 = arith.constant 0 : index
    %get3A_133 = vector.load %arg2[%get3A_131, %get3A_132] : memref<1600x128xf32, #tpu.memory_space<vmem>>, vector<50x128xf32>
    %get3A_134 = arith.constant 0 : index
    %get3A_135 = arith.constant 0 : index
    %get3A_136 = vector.load %arg3[%get3A_134, %get3A_135] : memref<50x200xf32, #tpu.memory_space<vmem>>, vector<50x200xf32>
    %dot_general3A_137 = arith.constant dense<0.000000e+00> : vector<128x200xf32>
    %dot_general3A_138 = tpu.matmul %get3A_133, %get3A_136, %dot_general3A_137 {dimension_numbers = #tpu.dot_dimension_numbers<[0], [0], [1], [1], [0, 1, 1, 1], [], []>, precision = #tpu.contract_precision<fp32>, transpose_lhs_hint = false} : vector<50x128xf32>, vector<50x200xf32>, vector<128x200xf32> -> vector<128x200xf32>
    %swap3A_139 = arith.constant 9 : index
    %swap3A_140 = arith.constant 128 : index
    %swap3A_141 = arith.constant 0 : index
    %swap3A_142 = vector.load %arg4[%swap3A_139, %swap3A_140, %swap3A_141] : memref<32x256x200xf32, #tpu.memory_space<vmem>>, vector<1x128x200xf32>
    %swap3A_143 = vector.shape_cast %swap3A_142 : vector<1x128x200xf32> to vector<128x200xf32>
    %swap3A_144 = vector.shape_cast %dot_general3A_138 : vector<128x200xf32> to vector<1x128x200xf32>
    tpu.vector_store %arg4[%swap3A_139, %swap3A_140, %swap3A_141], %swap3A_144 {strides = array<i32>} : memref<32x256x200xf32, #tpu.memory_space<vmem>>, vector<1x128x200xf32>,
    %get3A_145 = arith.constant 500 : index
    %get3A_146 = arith.constant 0 : index
    %get3A_147 = vector.load %arg2[%get3A_145, %get3A_146] : memref<1600x128xf32, #tpu.memory_space<vmem>>, vector<50x128xf32>
    %get3A_148 = arith.constant 0 : index
    %get3A_149 = arith.constant 0 : index
    %get3A_150 = vector.load %arg3[%get3A_148, %get3A_149] : memref<50x200xf32, #tpu.memory_space<vmem>>, vector<50x200xf32>
    %dot_general3A_151 = arith.constant dense<0.000000e+00> : vector<128x200xf32>
    %dot_general3A_152 = tpu.matmul %get3A_147, %get3A_150, %dot_general3A_151 {dimension_numbers = #tpu.dot_dimension_numbers<[0], [0], [1], [1], [0, 1, 1, 1], [], []>, precision = #tpu.contract_precision<fp32>, transpose_lhs_hint = false} : vector<50x128xf32>, vector<50x200xf32>, vector<128x200xf32> -> vector<128x200xf32>
    %swap3A_153 = arith.constant 10 : index
    %swap3A_154 = arith.constant 128 : index
    %swap3A_155 = arith.constant 0 : index
    %swap3A_156 = vector.load %arg4[%swap3A_153, %swap3A_154, %swap3A_155] : memref<32x256x200xf32, #tpu.memory_space<vmem>>, vector<1x128x200xf32>
    %swap3A_157 = vector.shape_cast %swap3A_156 : vector<1x128x200xf32> to vector<128x200xf32>
    %swap3A_158 = vector.shape_cast %dot_general3A_152 : vector<128x200xf32> to vector<1x128x200xf32>
    tpu.vector_store %arg4[%swap3A_153, %swap3A_154, %swap3A_155], %swap3A_158 {strides = array<i32>} : memref<32x256x200xf32, #tpu.memory_space<vmem>>, vector<1x128x200xf32>,
    %get3A_159 = arith.constant 550 : index
    %get3A_160 = arith.constant 0 : index
    %get3A_161 = vector.load %arg2[%get3A_159, %get3A_160] : memref<1600x128xf32, #tpu.memory_space<vmem>>, vector<50x128xf32>
    %get3A_162 = arith.constant 0 : index
    %get3A_163 = arith.constant 0 : index
    %get3A_164 = vector.load %arg3[%get3A_162, %get3A_163] : memref<50x200xf32, #tpu.memory_space<vmem>>, vector<50x200xf32>
    %dot_general3A_165 = arith.constant dense<0.000000e+00> : vector<128x200xf32>
    %dot_general3A_166 = tpu.matmul %get3A_161, %get3A_164, %dot_general3A_165 {dimension_numbers = #tpu.dot_dimension_numbers<[0], [0], [1], [1], [0, 1, 1, 1], [], []>, precision = #tpu.contract_precision<fp32>, transpose_lhs_hint = false} : vector<50x128xf32>, vector<50x200xf32>, vector<128x200xf32> -> vector<128x200xf32>
    %swap3A_167 = arith.constant 11 : index
    %swap3A_168 = arith.constant 128 : index
    %swap3A_169 = arith.constant 0 : index
    %swap3A_170 = vector.load %arg4[%swap3A_167, %swap3A_168, %swap3A_169] : memref<32x256x200xf32, #tpu.memory_space<vmem>>, vector<1x128x200xf32>
    %swap3A_171 = vector.shape_cast %swap3A_170 : vector<1x128x200xf32> to vector<128x200xf32>
    %swap3A_172 = vector.shape_cast %dot_general3A_166 : vector<128x200xf32> to vector<1x128x200xf32>
    tpu.vector_store %arg4[%swap3A_167, %swap3A_168, %swap3A_169], %swap3A_172 {strides = array<i32>} : memref<32x256x200xf32, #tpu.memory_space<vmem>>, vector<1x128x200xf32>,
    %get3A_173 = arith.constant 600 : index
    %get3A_174 = arith.constant 0 : index
    %get3A_175 = vector.load %arg2[%get3A_173, %get3A_174] : memref<1600x128xf32, #tpu.memory_space<vmem>>, vector<50x128xf32>
    %get3A_176 = arith.constant 0 : index
    %get3A_177 = arith.constant 0 : index
    %get3A_178 = vector.load %arg3[%get3A_176, %get3A_177] : memref<50x200xf32, #tpu.memory_space<vmem>>, vector<50x200xf32>
    %dot_general3A_179 = arith.constant dense<0.000000e+00> : vector<128x200xf32>
    %dot_general3A_180 = tpu.matmul %get3A_175, %get3A_178, %dot_general3A_179 {dimension_numbers = #tpu.dot_dimension_numbers<[0], [0], [1], [1], [0, 1, 1, 1], [], []>, precision = #tpu.contract_precision<fp32>, transpose_lhs_hint = false} : vector<50x128xf32>, vector<50x200xf32>, vector<128x200xf32> -> vector<128x200xf32>
    %swap3A_181 = arith.constant 12 : index
    %swap3A_182 = arith.constant 128 : index
    %swap3A_183 = arith.constant 0 : index
    %swap3A_184 = vector.load %arg4[%swap3A_181, %swap3A_182, %swap3A_183] : memref<32x256x200xf32, #tpu.memory_space<vmem>>, vector<1x128x200xf32>
    %swap3A_185 = vector.shape_cast %swap3A_184 : vector<1x128x200xf32> to vector<128x200xf32>
    %swap3A_186 = vector.shape_cast %dot_general3A_180 : vector<128x200xf32> to vector<1x128x200xf32>
    tpu.vector_store %arg4[%swap3A_181, %swap3A_182, %swap3A_183], %swap3A_186 {strides = array<i32>} : memref<32x256x200xf32, #tpu.memory_space<vmem>>, vector<1x128x200xf32>,
    %get3A_187 = arith.constant 650 : index
    %get3A_188 = arith.constant 0 : index
    %get3A_189 = vector.load %arg2[%get3A_187, %get3A_188] : memref<1600x128xf32, #tpu.memory_space<vmem>>, vector<50x128xf32>
    %get3A_190 = arith.constant 0 : index
    %get3A_191 = arith.constant 0 : index
    %get3A_192 = vector.load %arg3[%get3A_190, %get3A_191] : memref<50x200xf32, #tpu.memory_space<vmem>>, vector<50x200xf32>
    %dot_general3A_193 = arith.constant dense<0.000000e+00> : vector<128x200xf32>
    %dot_general3A_194 = tpu.matmul %get3A_189, %get3A_192, %dot_general3A_193 {dimension_numbers = #tpu.dot_dimension_numbers<[0], [0], [1], [1], [0, 1, 1, 1], [], []>, precision = #tpu.contract_precision<fp32>, transpose_lhs_hint = false} : vector<50x128xf32>, vector<50x200xf32>, vector<128x200xf32> -> vector<128x200xf32>
    %swap3A_195 = arith.constant 13 : index
    %swap3A_196 = arith.constant 128 : index
    %swap3A_197 = arith.constant 0 : index
    %swap3A_198 = vector.load %arg4[%swap3A_195, %swap3A_196, %swap3A_197] : memref<32x256x200xf32, #tpu.memory_space<vmem>>, vector<1x128x200xf32>
    %swap3A_199 = vector.shape_cast %swap3A_198 : vector<1x128x200xf32> to vector<128x200xf32>
    %swap3A_200 = vector.shape_cast %dot_general3A_194 : vector<128x200xf32> to vector<1x128x200xf32>
    tpu.vector_store %arg4[%swap3A_195, %swap3A_196, %swap3A_197], %swap3A_200 {strides = array<i32>} : memref<32x256x200xf32, #tpu.memory_space<vmem>>, vector<1x128x200xf32>,
    %get3A_201 = arith.constant 700 : index
    %get3A_202 = arith.constant 0 : index
    %get3A_203 = vector.load %arg2[%get3A_201, %get3A_202] : memref<1600x128xf32, #tpu.memory_space<vmem>>, vector<50x128xf32>
    %get3A_204 = arith.constant 0 : index
    %get3A_205 = arith.constant 0 : index
    %get3A_206 = vector.load %arg3[%get3A_204, %get3A_205] : memref<50x200xf32, #tpu.memory_space<vmem>>, vector<50x200xf32>
    %dot_general3A_207 = arith.constant dense<0.000000e+00> : vector<128x200xf32>
    %dot_general3A_208 = tpu.matmul %get3A_203, %get3A_206, %dot_general3A_207 {dimension_numbers = #tpu.dot_dimension_numbers<[0], [0], [1], [1], [0, 1, 1, 1], [], []>, precision = #tpu.contract_precision<fp32>, transpose_lhs_hint = false} : vector<50x128xf32>, vector<50x200xf32>, vector<128x200xf32> -> vector<128x200xf32>
    %swap3A_209 = arith.constant 14 : index
    %swap3A_210 = arith.constant 128 : index
    %swap3A_211 = arith.constant 0 : index
    %swap3A_212 = vector.load %arg4[%swap3A_209, %swap3A_210, %swap3A_211] : memref<32x256x200xf32, #tpu.memory_space<vmem>>, vector<1x128x200xf32>
    %swap3A_213 = vector.shape_cast %swap3A_212 : vector<1x128x200xf32> to vector<128x200xf32>
    %swap3A_214 = vector.shape_cast %dot_general3A_208 : vector<128x200xf32> to vector<1x128x200xf32>
    tpu.vector_store %arg4[%swap3A_209, %swap3A_210, %swap3A_211], %swap3A_214 {strides = array<i32>} : memref<32x256x200xf32, #tpu.memory_space<vmem>>, vector<1x128x200xf32>,
    %get3A_215 = arith.constant 750 : index
    %get3A_216 = arith.constant 0 : index
    %get3A_217 = vector.load %arg2[%get3A_215, %get3A_216] : memref<1600x128xf32, #tpu.memory_space<vmem>>, vector<50x128xf32>
    %get3A_218 = arith.constant 0 : index
    %get3A_219 = arith.constant 0 : index
    %get3A_220 = vector.load %arg3[%get3A_218, %get3A_219] : memref<50x200xf32, #tpu.memory_space<vmem>>, vector<50x200xf32>
    %dot_general3A_221 = arith.constant dense<0.000000e+00> : vector<128x200xf32>
    %dot_general3A_222 = tpu.matmul %get3A_217, %get3A_220, %dot_general3A_221 {dimension_numbers = #tpu.dot_dimension_numbers<[0], [0], [1], [1], [0, 1, 1, 1], [], []>, precision = #tpu.contract_precision<fp32>, transpose_lhs_hint = false} : vector<50x128xf32>, vector<50x200xf32>, vector<128x200xf32> -> vector<128x200xf32>
    %swap3A_223 = arith.constant 15 : index
    %swap3A_224 = arith.constant 128 : index
    %swap3A_225 = arith.constant 0 : index
    %swap3A_226 = vector.load %arg4[%swap3A_223, %swap3A_224, %swap3A_225] : memref<32x256x200xf32, #tpu.memory_space<vmem>>, vector<1x128x200xf32>
    %swap3A_227 = vector.shape_cast %swap3A_226 : vector<1x128x200xf32> to vector<128x200xf32>
    %swap3A_228 = vector.shape_cast %dot_general3A_222 : vector<128x200xf32> to vector<1x128x200xf32>
    tpu.vector_store %arg4[%swap3A_223, %swap3A_224, %swap3A_225], %swap3A_228 {strides = array<i32>} : memref<32x256x200xf32, #tpu.memory_space<vmem>>, vector<1x128x200xf32>,
    %get3A_229 = arith.constant 800 : index
    %get3A_230 = arith.constant 0 : index
    %get3A_231 = vector.load %arg2[%get3A_229, %get3A_230] : memref<1600x128xf32, #tpu.memory_space<vmem>>, vector<50x128xf32>
    %get3A_232 = arith.constant 0 : index
    %get3A_233 = arith.constant 0 : index
    %get3A_234 = vector.load %arg3[%get3A_232, %get3A_233] : memref<50x200xf32, #tpu.memory_space<vmem>>, vector<50x200xf32>
    %dot_general3A_235 = arith.constant dense<0.000000e+00> : vector<128x200xf32>
    %dot_general3A_236 = tpu.matmul %get3A_231, %get3A_234, %dot_general3A_235 {dimension_numbers = #tpu.dot_dimension_numbers<[0], [0], [1], [1], [0, 1, 1, 1], [], []>, precision = #tpu.contract_precision<fp32>, transpose_lhs_hint = false} : vector<50x128xf32>, vector<50x200xf32>, vector<128x200xf32> -> vector<128x200xf32>
    %swap3A_237 = arith.constant 16 : index
    %swap3A_238 = arith.constant 128 : index
    %swap3A_239 = arith.constant 0 : index
    %swap3A_240 = vector.load %arg4[%swap3A_237, %swap3A_238, %swap3A_239] : memref<32x256x200xf32, #tpu.memory_space<vmem>>, vector<1x128x200xf32>
    %swap3A_241 = vector.shape_cast %swap3A_240 : vector<1x128x200xf32> to vector<128x200xf32>
    %swap3A_242 = vector.shape_cast %dot_general3A_236 : vector<128x200xf32> to vector<1x128x200xf32>
    tpu.vector_store %arg4[%swap3A_237, %swap3A_238, %swap3A_239], %swap3A_242 {strides = array<i32>} : memref<32x256x200xf32, #tpu.memory_space<vmem>>, vector<1x128x200xf32>,
    %get3A_243 = arith.constant 850 : index
    %get3A_244 = arith.constant 0 : index
    %get3A_245 = vector.load %arg2[%get3A_243, %get3A_244] : memref<1600x128xf32, #tpu.memory_space<vmem>>, vector<50x128xf32>
    %get3A_246 = arith.constant 0 : index
    %get3A_247 = arith.constant 0 : index
    %get3A_248 = vector.load %arg3[%get3A_246, %get3A_247] : memref<50x200xf32, #tpu.memory_space<vmem>>, vector<50x200xf32>
    %dot_general3A_249 = arith.constant dense<0.000000e+00> : vector<128x200xf32>
    %dot_general3A_250 = tpu.matmul %get3A_245, %get3A_248, %dot_general3A_249 {dimension_numbers = #tpu.dot_dimension_numbers<[0], [0], [1], [1], [0, 1, 1, 1], [], []>, precision = #tpu.contract_precision<fp32>, transpose_lhs_hint = false} : vector<50x128xf32>, vector<50x200xf32>, vector<128x200xf32> -> vector<128x200xf32>
    %swap3A_251 = arith.constant 17 : index
    %swap3A_252 = arith.constant 128 : index
    %swap3A_253 = arith.constant 0 : index
    %swap3A_254 = vector.load %arg4[%swap3A_251, %swap3A_252, %swap3A_253] : memref<32x256x200xf32, #tpu.memory_space<vmem>>, vector<1x128x200xf32>
    %swap3A_255 = vector.shape_cast %swap3A_254 : vector<1x128x200xf32> to vector<128x200xf32>
    %swap3A_256 = vector.shape_cast %dot_general3A_250 : vector<128x200xf32> to vector<1x128x200xf32>
    tpu.vector_store %arg4[%swap3A_251, %swap3A_252, %swap3A_253], %swap3A_256 {strides = array<i32>} : memref<32x256x200xf32, #tpu.memory_space<vmem>>, vector<1x128x200xf32>,
    %get3A_257 = arith.constant 900 : index
    %get3A_258 = arith.constant 0 : index
    %get3A_259 = vector.load %arg2[%get3A_257, %get3A_258] : memref<1600x128xf32, #tpu.memory_space<vmem>>, vector<50x128xf32>
    %get3A_260 = arith.constant 0 : index
    %get3A_261 = arith.constant 0 : index
    %get3A_262 = vector.load %arg3[%get3A_260, %get3A_261] : memref<50x200xf32, #tpu.memory_space<vmem>>, vector<50x200xf32>
    %dot_general3A_263 = arith.constant dense<0.000000e+00> : vector<128x200xf32>
    %dot_general3A_264 = tpu.matmul %get3A_259, %get3A_262, %dot_general3A_263 {dimension_numbers = #tpu.dot_dimension_numbers<[0], [0], [1], [1], [0, 1, 1, 1], [], []>, precision = #tpu.contract_precision<fp32>, transpose_lhs_hint = false} : vector<50x128xf32>, vector<50x200xf32>, vector<128x200xf32> -> vector<128x200xf32>
    %swap3A_265 = arith.constant 18 : index
    %swap3A_266 = arith.constant 128 : index
    %swap3A_267 = arith.constant 0 : index
    %swap3A_268 = vector.load %arg4[%swap3A_265, %swap3A_266, %swap3A_267] : memref<32x256x200xf32, #tpu.memory_space<vmem>>, vector<1x128x200xf32>
    %swap3A_269 = vector.shape_cast %swap3A_268 : vector<1x128x200xf32> to vector<128x200xf32>
    %swap3A_270 = vector.shape_cast %dot_general3A_264 : vector<128x200xf32> to vector<1x128x200xf32>
    tpu.vector_store %arg4[%swap3A_265, %swap3A_266, %swap3A_267], %swap3A_270 {strides = array<i32>} : memref<32x256x200xf32, #tpu.memory_space<vmem>>, vector<1x128x200xf32>,
    %get3A_271 = arith.constant 950 : index
    %get3A_272 = arith.constant 0 : index
    %get3A_273 = vector.load %arg2[%get3A_271, %get3A_272] : memref<1600x128xf32, #tpu.memory_space<vmem>>, vector<50x128xf32>
    %get3A_274 = arith.constant 0 : index
    %get3A_275 = arith.constant 0 : index
    %get3A_276 = vector.load %arg3[%get3A_274, %get3A_275] : memref<50x200xf32, #tpu.memory_space<vmem>>, vector<50x200xf32>
    %dot_general3A_277 = arith.constant dense<0.000000e+00> : vector<128x200xf32>
    %dot_general3A_278 = tpu.matmul %get3A_273, %get3A_276, %dot_general3A_277 {dimension_numbers = #tpu.dot_dimension_numbers<[0], [0], [1], [1], [0, 1, 1, 1], [], []>, precision = #tpu.contract_precision<fp32>, transpose_lhs_hint = false} : vector<50x128xf32>, vector<50x200xf32>, vector<128x200xf32> -> vector<128x200xf32>
    %swap3A_279 = arith.constant 19 : index
    %swap3A_280 = arith.constant 128 : index
    %swap3A_281 = arith.constant 0 : index
    %swap3A_282 = vector.load %arg4[%swap3A_279, %swap3A_280, %swap3A_281] : memref<32x256x200xf32, #tpu.memory_space<vmem>>, vector<1x128x200xf32>
    %swap3A_283 = vector.shape_cast %swap3A_282 : vector<1x128x200xf32> to vector<128x200xf32>
    %swap3A_284 = vector.shape_cast %dot_general3A_278 : vector<128x200xf32> to vector<1x128x200xf32>
    tpu.vector_store %arg4[%swap3A_279, %swap3A_280, %swap3A_281], %swap3A_284 {strides = array<i32>} : memref<32x256x200xf32, #tpu.memory_space<vmem>>, vector<1x128x200xf32>,
    %get3A_285 = arith.constant 1000 : index
    %get3A_286 = arith.constant 0 : index
    %get3A_287 = vector.load %arg2[%get3A_285, %get3A_286] : memref<1600x128xf32, #tpu.memory_space<vmem>>, vector<50x128xf32>
    %get3A_288 = arith.constant 0 : index
    %get3A_289 = arith.constant 0 : index
    %get3A_290 = vector.load %arg3[%get3A_288, %get3A_289] : memref<50x200xf32, #tpu.memory_space<vmem>>, vector<50x200xf32>
    %dot_general3A_291 = arith.constant dense<0.000000e+00> : vector<128x200xf32>
    %dot_general3A_292 = tpu.matmul %get3A_287, %get3A_290, %dot_general3A_291 {dimension_numbers = #tpu.dot_dimension_numbers<[0], [0], [1], [1], [0, 1, 1, 1], [], []>, precision = #tpu.contract_precision<fp32>, transpose_lhs_hint = false} : vector<50x128xf32>, vector<50x200xf32>, vector<128x200xf32> -> vector<128x200xf32>
    %swap3A_293 = arith.constant 20 : index
    %swap3A_294 = arith.constant 128 : index
    %swap3A_295 = arith.constant 0 : index
    %swap3A_296 = vector.load %arg4[%swap3A_293, %swap3A_294, %swap3A_295] : memref<32x256x200xf32, #tpu.memory_space<vmem>>, vector<1x128x200xf32>
    %swap3A_297 = vector.shape_cast %swap3A_296 : vector<1x128x200xf32> to vector<128x200xf32>
    %swap3A_298 = vector.shape_cast %dot_general3A_292 : vector<128x200xf32> to vector<1x128x200xf32>
    tpu.vector_store %arg4[%swap3A_293, %swap3A_294, %swap3A_295], %swap3A_298 {strides = array<i32>} : memref<32x256x200xf32, #tpu.memory_space<vmem>>, vector<1x128x200xf32>,
    %get3A_299 = arith.constant 1050 : index
    %get3A_300 = arith.constant 0 : index
    %get3A_301 = vector.load %arg2[%get3A_299, %get3A_300] : memref<1600x128xf32, #tpu.memory_space<vmem>>, vector<50x128xf32>
    %get3A_302 = arith.constant 0 : index
    %get3A_303 = arith.constant 0 : index
    %get3A_304 = vector.load %arg3[%get3A_302, %get3A_303] : memref<50x200xf32, #tpu.memory_space<vmem>>, vector<50x200xf32>
    %dot_general3A_305 = arith.constant dense<0.000000e+00> : vector<128x200xf32>
    %dot_general3A_306 = tpu.matmul %get3A_301, %get3A_304, %dot_general3A_305 {dimension_numbers = #tpu.dot_dimension_numbers<[0], [0], [1], [1], [0, 1, 1, 1], [], []>, precision = #tpu.contract_precision<fp32>, transpose_lhs_hint = false} : vector<50x128xf32>, vector<50x200xf32>, vector<128x200xf32> -> vector<128x200xf32>
    %swap3A_307 = arith.constant 21 : index
    %swap3A_308 = arith.constant 128 : index
    %swap3A_309 = arith.constant 0 : index
    %swap3A_310 = vector.load %arg4[%swap3A_307, %swap3A_308, %swap3A_309] : memref<32x256x200xf32, #tpu.memory_space<vmem>>, vector<1x128x200xf32>
    %swap3A_311 = vector.shape_cast %swap3A_310 : vector<1x128x200xf32> to vector<128x200xf32>
    %swap3A_312 = vector.shape_cast %dot_general3A_306 : vector<128x200xf32> to vector<1x128x200xf32>
    tpu.vector_store %arg4[%swap3A_307, %swap3A_308, %swap3A_309], %swap3A_312 {strides = array<i32>} : memref<32x256x200xf32, #tpu.memory_space<vmem>>, vector<1x128x200xf32>,
    %get3A_313 = arith.constant 1100 : index
    %get3A_314 = arith.constant 0 : index
    %get3A_315 = vector.load %arg2[%get3A_313, %get3A_314] : memref<1600x128xf32, #tpu.memory_space<vmem>>, vector<50x128xf32>
    %get3A_316 = arith.constant 0 : index
    %get3A_317 = arith.constant 0 : index
    %get3A_318 = vector.load %arg3[%get3A_316, %get3A_317] : memref<50x200xf32, #tpu.memory_space<vmem>>, vector<50x200xf32>
    %dot_general3A_319 = arith.constant dense<0.000000e+00> : vector<128x200xf32>
    %dot_general3A_320 = tpu.matmul %get3A_315, %get3A_318, %dot_general3A_319 {dimension_numbers = #tpu.dot_dimension_numbers<[0], [0], [1], [1], [0, 1, 1, 1], [], []>, precision = #tpu.contract_precision<fp32>, transpose_lhs_hint = false} : vector<50x128xf32>, vector<50x200xf32>, vector<128x200xf32> -> vector<128x200xf32>
    %swap3A_321 = arith.constant 22 : index
    %swap3A_322 = arith.constant 128 : index
    %swap3A_323 = arith.constant 0 : index
    %swap3A_324 = vector.load %arg4[%swap3A_321, %swap3A_322, %swap3A_323] : memref<32x256x200xf32, #tpu.memory_space<vmem>>, vector<1x128x200xf32>
    %swap3A_325 = vector.shape_cast %swap3A_324 : vector<1x128x200xf32> to vector<128x200xf32>
    %swap3A_326 = vector.shape_cast %dot_general3A_320 : vector<128x200xf32> to vector<1x128x200xf32>
    tpu.vector_store %arg4[%swap3A_321, %swap3A_322, %swap3A_323], %swap3A_326 {strides = array<i32>} : memref<32x256x200xf32, #tpu.memory_space<vmem>>, vector<1x128x200xf32>,
    %get3A_327 = arith.constant 1150 : index
    %get3A_328 = arith.constant 0 : index
    %get3A_329 = vector.load %arg2[%get3A_327, %get3A_328] : memref<1600x128xf32, #tpu.memory_space<vmem>>, vector<50x128xf32>
    %get3A_330 = arith.constant 0 : index
    %get3A_331 = arith.constant 0 : index
    %get3A_332 = vector.load %arg3[%get3A_330, %get3A_331] : memref<50x200xf32, #tpu.memory_space<vmem>>, vector<50x200xf32>
    %dot_general3A_333 = arith.constant dense<0.000000e+00> : vector<128x200xf32>
    %dot_general3A_334 = tpu.matmul %get3A_329, %get3A_332, %dot_general3A_333 {dimension_numbers = #tpu.dot_dimension_numbers<[0], [0], [1], [1], [0, 1, 1, 1], [], []>, precision = #tpu.contract_precision<fp32>, transpose_lhs_hint = false} : vector<50x128xf32>, vector<50x200xf32>, vector<128x200xf32> -> vector<128x200xf32>
    %swap3A_335 = arith.constant 23 : index
    %swap3A_336 = arith.constant 128 : index
    %swap3A_337 = arith.constant 0 : index
    %swap3A_338 = vector.load %arg4[%swap3A_335, %swap3A_336, %swap3A_337] : memref<32x256x200xf32, #tpu.memory_space<vmem>>, vector<1x128x200xf32>
    %swap3A_339 = vector.shape_cast %swap3A_338 : vector<1x128x200xf32> to vector<128x200xf32>
    %swap3A_340 = vector.shape_cast %dot_general3A_334 : vector<128x200xf32> to vector<1x128x200xf32>
    tpu.vector_store %arg4[%swap3A_335, %swap3A_336, %swap3A_337], %swap3A_340 {strides = array<i32>} : memref<32x256x200xf32, #tpu.memory_space<vmem>>, vector<1x128x200xf32>,
    %get3A_341 = arith.constant 1200 : index
    %get3A_342 = arith.constant 0 : index
    %get3A_343 = vector.load %arg2[%get3A_341, %get3A_342] : memref<1600x128xf32, #tpu.memory_space<vmem>>, vector<50x128xf32>
    %get3A_344 = arith.constant 0 : index
    %get3A_345 = arith.constant 0 : index
    %get3A_346 = vector.load %arg3[%get3A_344, %get3A_345] : memref<50x200xf32, #tpu.memory_space<vmem>>, vector<50x200xf32>
    %dot_general3A_347 = arith.constant dense<0.000000e+00> : vector<128x200xf32>
    %dot_general3A_348 = tpu.matmul %get3A_343, %get3A_346, %dot_general3A_347 {dimension_numbers = #tpu.dot_dimension_numbers<[0], [0], [1], [1], [0, 1, 1, 1], [], []>, precision = #tpu.contract_precision<fp32>, transpose_lhs_hint = false} : vector<50x128xf32>, vector<50x200xf32>, vector<128x200xf32> -> vector<128x200xf32>
    %swap3A_349 = arith.constant 24 : index
    %swap3A_350 = arith.constant 128 : index
    %swap3A_351 = arith.constant 0 : index
    %swap3A_352 = vector.load %arg4[%swap3A_349, %swap3A_350, %swap3A_351] : memref<32x256x200xf32, #tpu.memory_space<vmem>>, vector<1x128x200xf32>
    %swap3A_353 = vector.shape_cast %swap3A_352 : vector<1x128x200xf32> to vector<128x200xf32>
    %swap3A_354 = vector.shape_cast %dot_general3A_348 : vector<128x200xf32> to vector<1x128x200xf32>
    tpu.vector_store %arg4[%swap3A_349, %swap3A_350, %swap3A_351], %swap3A_354 {strides = array<i32>} : memref<32x256x200xf32, #tpu.memory_space<vmem>>, vector<1x128x200xf32>,
    %get3A_355 = arith.constant 1250 : index
    %get3A_356 = arith.constant 0 : index
    %get3A_357 = vector.load %arg2[%get3A_355, %get3A_356] : memref<1600x128xf32, #tpu.memory_space<vmem>>, vector<50x128xf32>
    %get3A_358 = arith.constant 0 : index
    %get3A_359 = arith.constant 0 : index
    %get3A_360 = vector.load %arg3[%get3A_358, %get3A_359] : memref<50x200xf32, #tpu.memory_space<vmem>>, vector<50x200xf32>
    %dot_general3A_361 = arith.constant dense<0.000000e+00> : vector<128x200xf32>
    %dot_general3A_362 = tpu.matmul %get3A_357, %get3A_360, %dot_general3A_361 {dimension_numbers = #tpu.dot_dimension_numbers<[0], [0], [1], [1], [0, 1, 1, 1], [], []>, precision = #tpu.contract_precision<fp32>, transpose_lhs_hint = false} : vector<50x128xf32>, vector<50x200xf32>, vector<128x200xf32> -> vector<128x200xf32>
    %swap3A_363 = arith.constant 25 : index
    %swap3A_364 = arith.constant 128 : index
    %swap3A_365 = arith.constant 0 : index
    %swap3A_366 = vector.load %arg4[%swap3A_363, %swap3A_364, %swap3A_365] : memref<32x256x200xf32, #tpu.memory_space<vmem>>, vector<1x128x200xf32>
    %swap3A_367 = vector.shape_cast %swap3A_366 : vector<1x128x200xf32> to vector<128x200xf32>
    %swap3A_368 = vector.shape_cast %dot_general3A_362 : vector<128x200xf32> to vector<1x128x200xf32>
    tpu.vector_store %arg4[%swap3A_363, %swap3A_364, %swap3A_365], %swap3A_368 {strides = array<i32>} : memref<32x256x200xf32, #tpu.memory_space<vmem>>, vector<1x128x200xf32>,
    %get3A_369 = arith.constant 1300 : index
    %get3A_370 = arith.constant 0 : index
    %get3A_371 = vector.load %arg2[%get3A_369, %get3A_370] : memref<1600x128xf32, #tpu.memory_space<vmem>>, vector<50x128xf32>
    %get3A_372 = arith.constant 0 : index
    %get3A_373 = arith.constant 0 : index
    %get3A_374 = vector.load %arg3[%get3A_372, %get3A_373] : memref<50x200xf32, #tpu.memory_space<vmem>>, vector<50x200xf32>
    %dot_general3A_375 = arith.constant dense<0.000000e+00> : vector<128x200xf32>
    %dot_general3A_376 = tpu.matmul %get3A_371, %get3A_374, %dot_general3A_375 {dimension_numbers = #tpu.dot_dimension_numbers<[0], [0], [1], [1], [0, 1, 1, 1], [], []>, precision = #tpu.contract_precision<fp32>, transpose_lhs_hint = false} : vector<50x128xf32>, vector<50x200xf32>, vector<128x200xf32> -> vector<128x200xf32>
    %swap3A_377 = arith.constant 26 : index
    %swap3A_378 = arith.constant 128 : index
    %swap3A_379 = arith.constant 0 : index
    %swap3A_380 = vector.load %arg4[%swap3A_377, %swap3A_378, %swap3A_379] : memref<32x256x200xf32, #tpu.memory_space<vmem>>, vector<1x128x200xf32>
    %swap3A_381 = vector.shape_cast %swap3A_380 : vector<1x128x200xf32> to vector<128x200xf32>
    %swap3A_382 = vector.shape_cast %dot_general3A_376 : vector<128x200xf32> to vector<1x128x200xf32>
    tpu.vector_store %arg4[%swap3A_377, %swap3A_378, %swap3A_379], %swap3A_382 {strides = array<i32>} : memref<32x256x200xf32, #tpu.memory_space<vmem>>, vector<1x128x200xf32>,
    %get3A_383 = arith.constant 1350 : index
    %get3A_384 = arith.constant 0 : index
    %get3A_385 = vector.load %arg2[%get3A_383, %get3A_384] : memref<1600x128xf32, #tpu.memory_space<vmem>>, vector<50x128xf32>
    %get3A_386 = arith.constant 0 : index
    %get3A_387 = arith.constant 0 : index
    %get3A_388 = vector.load %arg3[%get3A_386, %get3A_387] : memref<50x200xf32, #tpu.memory_space<vmem>>, vector<50x200xf32>
    %dot_general3A_389 = arith.constant dense<0.000000e+00> : vector<128x200xf32>
    %dot_general3A_390 = tpu.matmul %get3A_385, %get3A_388, %dot_general3A_389 {dimension_numbers = #tpu.dot_dimension_numbers<[0], [0], [1], [1], [0, 1, 1, 1], [], []>, precision = #tpu.contract_precision<fp32>, transpose_lhs_hint = false} : vector<50x128xf32>, vector<50x200xf32>, vector<128x200xf32> -> vector<128x200xf32>
    %swap3A_391 = arith.constant 27 : index
    %swap3A_392 = arith.constant 128 : index
    %swap3A_393 = arith.constant 0 : index
    %swap3A_394 = vector.load %arg4[%swap3A_391, %swap3A_392, %swap3A_393] : memref<32x256x200xf32, #tpu.memory_space<vmem>>, vector<1x128x200xf32>
    %swap3A_395 = vector.shape_cast %swap3A_394 : vector<1x128x200xf32> to vector<128x200xf32>
    %swap3A_396 = vector.shape_cast %dot_general3A_390 : vector<128x200xf32> to vector<1x128x200xf32>
    tpu.vector_store %arg4[%swap3A_391, %swap3A_392, %swap3A_393], %swap3A_396 {strides = array<i32>} : memref<32x256x200xf32, #tpu.memory_space<vmem>>, vector<1x128x200xf32>,
    %get3A_397 = arith.constant 1400 : index
    %get3A_398 = arith.constant 0 : index
    %get3A_399 = vector.load %arg2[%get3A_397, %get3A_398] : memref<1600x128xf32, #tpu.memory_space<vmem>>, vector<50x128xf32>
    %get3A_400 = arith.constant 0 : index
    %get3A_401 = arith.constant 0 : index
    %get3A_402 = vector.load %arg3[%get3A_400, %get3A_401] : memref<50x200xf32, #tpu.memory_space<vmem>>, vector<50x200xf32>
    %dot_general3A_403 = arith.constant dense<0.000000e+00> : vector<128x200xf32>
    %dot_general3A_404 = tpu.matmul %get3A_399, %get3A_402, %dot_general3A_403 {dimension_numbers = #tpu.dot_dimension_numbers<[0], [0], [1], [1], [0, 1, 1, 1], [], []>, precision = #tpu.contract_precision<fp32>, transpose_lhs_hint = false} : vector<50x128xf32>, vector<50x200xf32>, vector<128x200xf32> -> vector<128x200xf32>
    %swap3A_405 = arith.constant 28 : index
    %swap3A_406 = arith.constant 128 : index
    %swap3A_407 = arith.constant 0 : index
    %swap3A_408 = vector.load %arg4[%swap3A_405, %swap3A_406, %swap3A_407] : memref<32x256x200xf32, #tpu.memory_space<vmem>>, vector<1x128x200xf32>
    %swap3A_409 = vector.shape_cast %swap3A_408 : vector<1x128x200xf32> to vector<128x200xf32>
    %swap3A_410 = vector.shape_cast %dot_general3A_404 : vector<128x200xf32> to vector<1x128x200xf32>
    tpu.vector_store %arg4[%swap3A_405, %swap3A_406, %swap3A_407], %swap3A_410 {strides = array<i32>} : memref<32x256x200xf32, #tpu.memory_space<vmem>>, vector<1x128x200xf32>,
    %get3A_411 = arith.constant 1450 : index
    %get3A_412 = arith.constant 0 : index
    %get3A_413 = vector.load %arg2[%get3A_411, %get3A_412] : memref<1600x128xf32, #tpu.memory_space<vmem>>, vector<50x128xf32>
    %get3A_414 = arith.constant 0 : index
    %get3A_415 = arith.constant 0 : index
    %get3A_416 = vector.load %arg3[%get3A_414, %get3A_415] : memref<50x200xf32, #tpu.memory_space<vmem>>, vector<50x200xf32>
    %dot_general3A_417 = arith.constant dense<0.000000e+00> : vector<128x200xf32>
    %dot_general3A_418 = tpu.matmul %get3A_413, %get3A_416, %dot_general3A_417 {dimension_numbers = #tpu.dot_dimension_numbers<[0], [0], [1], [1], [0, 1, 1, 1], [], []>, precision = #tpu.contract_precision<fp32>, transpose_lhs_hint = false} : vector<50x128xf32>, vector<50x200xf32>, vector<128x200xf32> -> vector<128x200xf32>
    %swap3A_419 = arith.constant 29 : index
    %swap3A_420 = arith.constant 128 : index
    %swap3A_421 = arith.constant 0 : index
    %swap3A_422 = vector.load %arg4[%swap3A_419, %swap3A_420, %swap3A_421] : memref<32x256x200xf32, #tpu.memory_space<vmem>>, vector<1x128x200xf32>
    %swap3A_423 = vector.shape_cast %swap3A_422 : vector<1x128x200xf32> to vector<128x200xf32>
    %swap3A_424 = vector.shape_cast %dot_general3A_418 : vector<128x200xf32> to vector<1x128x200xf32>
    tpu.vector_store %arg4[%swap3A_419, %swap3A_420, %swap3A_421], %swap3A_424 {strides = array<i32>} : memref<32x256x200xf32, #tpu.memory_space<vmem>>, vector<1x128x200xf32>,
    %get3A_425 = arith.constant 1500 : index
    %get3A_426 = arith.constant 0 : index
    %get3A_427 = vector.load %arg2[%get3A_425, %get3A_426] : memref<1600x128xf32, #tpu.memory_space<vmem>>, vector<50x128xf32>
    %get3A_428 = arith.constant 0 : index
    %get3A_429 = arith.constant 0 : index
    %get3A_430 = vector.load %arg3[%get3A_428, %get3A_429] : memref<50x200xf32, #tpu.memory_space<vmem>>, vector<50x200xf32>
    %dot_general3A_431 = arith.constant dense<0.000000e+00> : vector<128x200xf32>
    %dot_general3A_432 = tpu.matmul %get3A_427, %get3A_430, %dot_general3A_431 {dimension_numbers = #tpu.dot_dimension_numbers<[0], [0], [1], [1], [0, 1, 1, 1], [], []>, precision = #tpu.contract_precision<fp32>, transpose_lhs_hint = false} : vector<50x128xf32>, vector<50x200xf32>, vector<128x200xf32> -> vector<128x200xf32>
    %swap3A_433 = arith.constant 30 : index
    %swap3A_434 = arith.constant 128 : index
    %swap3A_435 = arith.constant 0 : index
    %swap3A_436 = vector.load %arg4[%swap3A_433, %swap3A_434, %swap3A_435] : memref<32x256x200xf32, #tpu.memory_space<vmem>>, vector<1x128x200xf32>
    %swap3A_437 = vector.shape_cast %swap3A_436 : vector<1x128x200xf32> to vector<128x200xf32>
    %swap3A_438 = vector.shape_cast %dot_general3A_432 : vector<128x200xf32> to vector<1x128x200xf32>
    tpu.vector_store %arg4[%swap3A_433, %swap3A_434, %swap3A_435], %swap3A_438 {strides = array<i32>} : memref<32x256x200xf32, #tpu.memory_space<vmem>>, vector<1x128x200xf32>,
    %get3A_439 = arith.constant 1550 : index
    %get3A_440 = arith.constant 0 : index
    %get3A_441 = vector.load %arg2[%get3A_439, %get3A_440] : memref<1600x128xf32, #tpu.memory_space<vmem>>, vector<50x128xf32>
    %get3A_442 = arith.constant 0 : index
    %get3A_443 = arith.constant 0 : index
    %get3A_444 = vector.load %arg3[%get3A_442, %get3A_443] : memref<50x200xf32, #tpu.memory_space<vmem>>, vector<50x200xf32>
    %dot_general3A_445 = arith.constant dense<0.000000e+00> : vector<128x200xf32>
    %dot_general3A_446 = tpu.matmul %get3A_441, %get3A_444, %dot_general3A_445 {dimension_numbers = #tpu.dot_dimension_numbers<[0], [0], [1], [1], [0, 1, 1, 1], [], []>, precision = #tpu.contract_precision<fp32>, transpose_lhs_hint = false} : vector<50x128xf32>, vector<50x200xf32>, vector<128x200xf32> -> vector<128x200xf32>
    %swap3A_447 = arith.constant 31 : index
    %swap3A_448 = arith.constant 128 : index
    %swap3A_449 = arith.constant 0 : index
    %swap3A_450 = vector.load %arg4[%swap3A_447, %swap3A_448, %swap3A_449] : memref<32x256x200xf32, #tpu.memory_space<vmem>>, vector<1x128x200xf32>
    %swap3A_451 = vector.shape_cast %swap3A_450 : vector<1x128x200xf32> to vector<128x200xf32>
    %swap3A_452 = vector.shape_cast %dot_general3A_446 : vector<128x200xf32> to vector<1x128x200xf32>
    tpu.vector_store %arg4[%swap3A_447, %swap3A_448, %swap3A_449], %swap3A_452 {strides = array<i32>} : memref<32x256x200xf32, #tpu.memory_space<vmem>>, vector<1x128x200xf32>,
    return
  }
  func.func @transform_0(%arg0: i32) -> (i32, i32, i32) {
    %c0_i32 = arith.constant 0 : i32
    %c0_i32_0 = arith.constant 0 : i32
    %c0_i32_1 = arith.constant 0 : i32
    return %arg0, %c0_i32, %c0_i32_0 : i32, i32, i32
  }
  func.func @transform_1(%arg0: i32) -> (i32, i32) {
    %c0_i32 = arith.constant 0 : i32
    %c0_i32_0 = arith.constant 0 : i32
    return %arg0, %c0_i32 : i32, i32
  }
  func.func @transform_2(%arg0: i32) -> (i32, i32) {
    %c0_i32 = arith.constant 0 : i32
    %c0_i32_0 = arith.constant 0 : i32
    %c0_i32_1 = arith.constant 0 : i32
    return %c0_i32, %c0_i32_0 : i32, i32
  }
  func.func @transform_3(%arg0: i32) -> (i32, i32, i32) {
    %c0_i32 = arith.constant 0 : i32
    %c0_i32_0 = arith.constant 0 : i32
    %c0_i32_1 = arith.constant 0 : i32
    return %arg0, %c0_i32, %c0_i32_0 : i32, i32, i32
  }
}

</mosaic_0001>

<sc_bundles>
// kernel: kernel.4.cloned.1.call-start
scs
__scs_entry_jumppad:
0x0: {  	(pc) =	sbr.rel $0x88, $3  }
0x1: {  	(tag) =	ssettag $0x0;
	lr =	simm.s32 $0x1  }
0x2: {  	[smem:$0x3F9E] =	sst lr;
	_ =	strace $0xD0000000  }
0x3: {  	_ = 	snop  }
0x4: {  	_ = 	snop  }
0x5: {  	_ = 	snop  }
0x6: {  	_ = 	snop  }
0x7: {  	_ = 	snop  }
__scs_overlays_trampoline_lowered:
0x8: {  	[smem:$0x3FAD] =	sst s0  }
0x9: {  	[smem:$0x3FAE] =	sst s1  }
0xa: {  	[smem:$0x3FAF] =	sst s2  }
0xb: {  	[smem:$0x3FB0] =	sst s3  }
0xc: {  	[smem:$0x3FB1] =	sst s4  }
0xd: {  	[smem:$0x3FB2] =	sst s5  }
0xe: {  	[smem:$0x3FB3] =	sst s6  }
0xf: {  	[smem:$0x3FB4] =	sst s7  }
0x10: {  	[smem:$0x3FB5] =	sst s8  }
0x11: {  	[smem:$0x3FB6] =	sst s9;
	s0 =	simm.s32 @!p0 $0x0  }
0x12: {  	s1 =	sld [smem:$0x3F9C];
	s0 =	simm.s32 @p0 $0x1  }
0x13: {  	[smem:$0x3FB7] =	sst s0;
	s0 =	simm.s32 @!p1 $0x0  }
0x14: {  	s2 =	sld [smem:$0x3F9B];
	s0 =	simm.s32 @p1 $0x1  }
0x15: {  	[smem:$0x3FB8] =	sst s0;
	s0 =	simm.s32 @!p2 $0x0  }
0x16: {  	s3 =	sld [smem:$0x3FDB];
	s0 =	simm.s32 @p2 $0x1  }
0x17: {  	s4 =	simm.s32 $0x1BF5;
	[smem:$0x3FBA] =	sst s0  }
0x18: {  	s0 =	sld [smem:$0x3F9D];
	_ =	swait.ge [sflag:s4], $0x0  }
0x19: {  	s7 =	sld [smem:$0x3F9E]  }
0x1a: {  	s8 =	sadd.s32 $0xFFFFE003, lr  }
0x1b: {  	s9 =	sadd.s32 $0xFFFFFEF7, lr;
	s5 =	simm.s32 $0xFFFFFFFF;
	p2 =	slt.u32 s8, $0xFFFFF086  }
0x1c: {  	p1 =	slt.u32 s9, $0xF7A;
	s5 =	simm.s32 @!p2 $0x0  }
0x1d: {  	s5 =	simm.s32 @p1 $0x1;
	p0 =	seq.s32 s7, s2  }
0x1e: {  	s7 =	smul.u32 @!p0 $0xF7A, s2;
	p2 =	seq.s32 @!p0 s5, $0x0  }
0x1f: {  	s9 =	smul.u32 $0xF7A, s1;
	s8 =	simm.s32 @!p0 $0x1BF5;
	p2 =	por !p2, p0  }
0x20: {  	[sflag:s8] =	ssyncset.s32 @!p0 $0xFFFFF086;
	s6 =	sadd.s32 @!p0 s3, s7;
	s7 =	simm.s32 @!p0 $0x108  }
0x21: {  	s3 =	sadd.s32 s3, s9;
	s6 =	sadd.s32 @!p0 $0x88, s6;
	s7 =	simm.s32 @p2 $0x1082  }
0x22: {  	[simem:s7], [sflag:s8] =	dma.local @!p0 [hbm:s6], $0xF7A  }
0x23: {  	s9 =	sor.u32 $0xD0000000, s2;
	s6 =	simm.s32 $0x108;
	_ =	swait.ge @!p0 [sflag:s8], $0x0  }
0x24: {  	s3 =	sadd.s32 $0x88, s3;
	s6 =	simm.s32 @!p1 $0x1082;
	[sflag:s4] =	ssyncset.s32 $0xFFFFF086  }
0x25: {  	[simem:s6], [sflag:s4] =	dma.local [hbm:s3], $0xF7A  }
0x26: {  	[smem:$0x3F9E] =	sst s1;
	(tag) =	ssettag s2;
	_ =	strace s9  }
0x27: {  	s1 =	sld [smem:$0x3FAE]  }
0x28: {  	s2 =	sld [smem:$0x3FAF]  }
0x29: {  	s4 =	sld [smem:$0x3FB1]  }
0x2a: {  	p0 =	seq.s32 s5, $0x0;
	s5 =	sld [smem:$0x3FB2]  }
0x2b: {  	s6 =	sld [smem:$0x3FB3]  }
0x2c: {  	s7 =	sld [smem:$0x3FB4]  }
0x2d: {  	s3 =	simm.s32 $0x108;
	s8 =	sld [smem:$0x3FB5]  }
0x2e: {  	s3 =	simm.s32 @!p0 $0x1082;
	s9 =	sld [smem:$0x3FB6]  }
0x2f: {  	lr =	sadd.s32 s0, s3;
	s0 =	sld [smem:$0x3FAD]  }
0x30: {  	s3 =	sld [smem:$0x3FB0]  }
0x31: {  	[smem:$0x3FB9] =	sst s10  }
0x32: {  	s10 =	sld [smem:$0x3FB7];
	_ =	sdelay $0x3  }
0x33: {  	p0 =	seq.s32 s10, $0x1;
	s10 =	sld [smem:$0x3FB9];
	_ =	sdelay $0x3  }
0x34: {  	[smem:$0x3FB9] =	sst s10  }
0x35: {  	s10 =	sld [smem:$0x3FB8];
	_ =	sdelay $0x3  }
0x36: {  	p1 =	seq.s32 s10, $0x1;
	s10 =	sld [smem:$0x3FB9];
	_ =	sdelay $0x3  }
0x37: {  	[smem:$0x3FB9] =	sst s10  }
0x38: {  	s10 =	sld [smem:$0x3FBA]  }
0x39: {  	_ = 	snop;
	(pc) =	sbr.ind lr, $3  }
0x3a: {  	_ = 	snop  }
0x3b: {  	_ = 	snop  }
0x3c: {  	p2 =	seq.s32 s10, $0x1;
	s10 =	sld [smem:$0x3FB9]  }
0x3d: {  	_ =	shalt  }
0x3e: {  	_ =	shalt  }
0x3f: {  	_ =	shalt  }
0x40: {  	_ =	shalt  }
0x41: {  	_ =	shalt  }
0x42: {  	_ =	shalt  }
0x43: {  	_ =	shalt  }
0x44: {  	_ =	shalt  }
0x45: {  	_ =	shalt  }
0x46: {  	_ =	shalt  }
0x47: {  	_ =	shalt  }
0x48: {  	_ =	shalt  }
0x49: {  	_ =	shalt  }
0x4a: {  	_ =	shalt  }
0x4b: {  	_ =	shalt  }
0x4c: {  	_ =	shalt  }
0x4d: {  	_ =	shalt  }
0x4e: {  	_ =	shalt  }
0x4f: {  	_ =	shalt  }
0x50: {  	_ =	shalt  }
0x51: {  	_ =	shalt  }
0x52: {  	_ =	shalt  }
0x53: {  	_ =	shalt  }
0x54: {  	_ =	shalt  }
0x55: {  	_ =	shalt  }
0x56: {  	_ =	shalt  }
0x57: {  	_ =	shalt  }
0x58: {  	_ =	shalt  }
0x59: {  	_ =	shalt  }
0x5a: {  	_ =	shalt  }
0x5b: {  	_ =	shalt  }
0x5c: {  	_ =	shalt  }
0x5d: {  	_ =	shalt  }
0x5e: {  	_ =	shalt  }
0x5f: {  	_ =	shalt  }
0x60: {  	_ =	shalt  }
0x61: {  	_ =	shalt  }
0x62: {  	_ =	shalt  }
0x63: {  	_ =	shalt  }
0x64: {  	_ =	shalt  }
0x65: {  	_ =	shalt  }
0x66: {  	_ =	shalt  }
0x67: {  	_ =	shalt  }
0x68: {  	_ =	shalt  }
0x69: {  	_ =	shalt  }
0x6a: {  	_ =	shalt  }
0x6b: {  	_ =	shalt  }
0x6c: {  	_ =	shalt  }
0x6d: {  	_ =	shalt  }
0x6e: {  	_ =	shalt  }
0x6f: {  	_ =	shalt  }
0x70: {  	_ =	shalt  }
0x71: {  	_ =	shalt  }
0x72: {  	_ =	shalt  }
0x73: {  	_ =	shalt  }
0x74: {  	_ =	shalt  }
0x75: {  	_ =	shalt  }
0x76: {  	_ =	shalt  }
0x77: {  	_ =	shalt  }
0x78: {  	_ =	shalt  }
0x79: {  	_ =	shalt  }
0x7a: {  	_ =	shalt  }
0x7b: {  	_ =	shalt  }
0x7c: {  	_ =	shalt  }
0x7d: {  	_ =	shalt  }
0x7e: {  	_ =	shalt  }
0x7f: {  	_ =	shalt  }
0x80: {  	_ =	shalt  }
0x81: {  	_ =	shalt  }
0x82: {  	_ =	shalt  }
0x83: {  	_ =	shalt  }
0x84: {  	_ =	shalt  }
0x85: {  	_ =	shalt  }
0x86: {  	_ =	shalt  }
0x87: {  	_ =	shalt  }
.Lfunc_end0:
.L_simem_size_0:
called_computation_lowered:
.L_overlay_start_0:
0x88: {  	s2 =	sld [smem:$0x3FD9]  }
0x89: {  	s3 =	sld [smem:$0x3FFE];
	_ =	sdelay $0x1  }
0x8a: {  	s1 =	srdreg.scid  }
0x8b: {  	s0 =	sand.u32 $0x1, s1  }
0x8c: {  	s17 =	sshll.u32 s0, $0xA;
	s2 =	sadd.s32 s3, s2  }
0x8d: {  	s2 =	sadd.s32 s2, s17  }
0x8e: {  	[smem:$0x3FC5] =	sst s2  }
0x8f: {  	_ = 	snop  }
0x90: {  	s2 =	sld [smem:$0x3FC7];
	(tm) =	ssettm $0x1  }
0x91: {  	s18 =	sld [smem:$0x3FFB];
	_ =	sdelay $0x3  }
0x92: {  	_ =	strace s18  }
0x93: {  	s3 =	sld [smem:$0x3FFC];
	_ =	sdelay $0x3  }
0x94: {  	_ =	strace s3  }
0x95: {  	s3 =	sld [smem:$0x3FFD];
	_ =	sdelay $0x3  }
0x96: {  	_ =	strace s3  }
0x97: {  	_ =	strace $0x8FFFFFFF  }
0x98: {  	s19 =	sld [smem:$0x3FDB];
	_ =	sdelay $0x1  }
0x99: {  	s4 =	simm.s32 $_scs_section_size  }
0x9a: {  	s5 =	simm.s32 $_size__tile_overlayer_lowered;
	s6 =	simm.s32 $_tile_overlayer_lowered  }
0x9b: {  	s22 =	simm.s32 $0x1BFF;
	s21 =	sshll.u32 s6, $0x1;
	s3 =	sadd.s32 s4, s19  }
0x9c: {  	s7 =	simm.s32 $0x0;
	s20 =	sshll.u32 s5, $0x1;
	s5 =	sadd.s32 s21, s3  }
0x9d: {  	[timem:s7], [sflag:s22] =	dma.local [hbm:s5], s20  }
0x9e: {  	_ =	swait.ge [sflag:s22], s20  }
0x9f: {  	s4 =	ssub.s32 $0x0, s20;
	[sflag:s22] =	ssyncset.done $0x0  }
0xa0: {  	[sflag:s22] =	ssyncadd.s32 s4;
	_ =	sdelay $0x1  }
0xa1: {  	s23 =	simm.s32 $0x1B8B  }
0xa2: {  	_ =	swait.ge [sflag:s23], $0x1  }
0xa3: {  	[sflag:s23] =	ssyncset.done $0x0  }
0xa4: {  	s25 =	simm.s32 $0x1B8E;
	s24 =	sld [smem:$0x3FFE];
	[sflag:s23] =	ssyncadd.s32 $0xFFFFFFFF  }
0xa5: {  	s26 =	simm.s32 $execute0_lowered;
	[smem:$0x3FD2] =	sst s25  }
0xa6: {  	s5 =	sshll.u32 s26, $0x1;
	_ =	strace $0x80000046;
	[dreg:$0x1] =	wrdreg $0xFFFFFFFF  }
0xa7: {  	s28 =	simm.s32 $_size_execute0_lowered;
	s3 =	sadd.s32 s3, s5;
	[dreg:$0x0] =	wrdreg $0x0  }
0xa8: {  	s5 =	sshll.u32 s28, $0x1;
	[dreg:$0x2] =	wrdreg s3  }
0xa9: {  	[dreg:$0x3] =	wrdreg s5  }
0xaa: {  	[dreg:$0x4] =	wrdreg $0xC0  }
0xab: {  	_ =	task [dreg:s7], $0x5FFFF  }
0xac: {  	[dreg:$0x1] =	wrdreg $0xFFFFFFFF  }
0xad: {  	[dreg:$0x0] =	wrdreg $0x60  }
0xae: {  	[dreg:$0x2] =	wrdreg s2  }
0xaf: {  	[dreg:$0x3] =	wrdreg s24  }
0xb0: {  	[dreg:$0x4] =	wrdreg $0x9  }
0xb1: {  	_ =	task.clear_ibuf [dreg:s7], $0x5FFFF;
	_ =	strace $0x90000046  }
0xb2: {  	s29 =	simm.s32 $0x9;
	_ =	strace $0x80000048  }
0xb3: {  	_ =	swait.ge [sflag:s29], $0x1  }
0xb4: {  	[sflag:s29] =	ssyncadd.s32 $0xFFFFFFFF  }
0xb5: {  	_ =	strace $0x90000048  }
0xb6: {  	_ =	sfence  }
0xb7: {  	s30 =	sld [smem:$0x0];
	_ =	sdelay $0x2  }
0xb8: {  	s31 =	sshll.u32 s1, $0xD;
	s1 =	sshrl.u32 s1, $0x2  }
0xb9: {  	s3 =	sand.u32 $0x4000, s31;
	s1 =	sadd.s32 s1, s30  }
0xba: {  	s0 =	sor.u32 s3, s0;
	s1 =	sshll.u32 s1, $0x11  }
0xbb: {  	s0 =	sor.u32 s1, s0  }
0xbc: {  	s0 =	sadd.s32 $0x8F2B, s0  }
0xbd: {  	[sflag:s0] =	ssyncadd.remote.s32 $0x1  }
0xbe: {  	_ =	sfence.sel $0xFFFF  }
0xbf: {  	[dreg:$0x0] =	wrdreg $0xFFFFFFFF;
	(pc) =	sbr.abs _section_cstart, $3  }
0xc0: {  	[dreg:$0x1] =	wrdreg $0xFFFFFFFF  }
0xc1: {  	_ =	task.clear_ibuf [dreg:s7], $0x2FFFF;
	_ =	strace $0x9FFFFFFF  }
0xc2: {  	(tm) =	ssettm $0x7FFFFFFF  }
0xc3: {  	_ =	shalt  }
tec
execute0_lowered:
.L_overlay_start_1:
0x0: {  	(tag) =	ssettag $0x1  }
0x1: {  	s1 =	rddreg [dreg:$0x0]  }
0x2: {  	s4 =	rddreg [dreg:$0x1]  }
0x3: {  	s0 =	rddreg [dreg:$0x2];
	s3 =	simm.s32 $0x0;
	s5 =	srdreg.scid  }
0x4: {  	s2 =	stileid.u32;
	s10 =	simm.s32 $0x1;
	s11 =	simm.s32 $0x0  }
0x5: {  	[smem:$0x7FF] =	sst s3;
	s5 =	sand.u32 $0x1, s5;
	s6 =	smul.u32 $0x64000, s2  }
0x6: {  	s8 =	sshll.u32 s2, $0xA;
	s7 =	smul.u32 $0x32000, s5;
	s9 =	sshll.u32 s5, $0x9  }
0x7: {  	_ =	strace $0x80000047;
	s5 =	ssub.s32 $0x2, s5;
	s8 =	sor.u32 s9, s8  }
0x8: {  	s31 =	sshrl.u32 s5, $0x1;
	s9 =	simm.s32 $0x1000;
	s6 =	sadd.s32 s7, s6  }
0x9: {  	s8 =	sadd.s32 s8, s4;
	s5 =	ssub.s32 s5, s31;
	s6 =	sshrl.u32 s6, $0x3  }
0xa: {  	s7 =	simm.s32 $0x2;
	s5 =	smax.u32 s5, $0x1;
	s6 =	sadd.s32 s6, s4  }
0xb: {  	s4 =	sadd.s32 $0x600, s8;
	s8 =	simm.s32 $0x40;
	s6 =	sadd.s32 $0x4600, s6  }
.LBB2_1:
0xc: {  	[tilespmem:s3], [sflag:$0x2] =	stream.linear.gather [hbm4b:s4+s3], $0xC80, $0x38;
	[tilespmem:$0x3000] =	vst v63  }
0xd: {  	_ =	swait.ge [sflag:s7], $0xC80  }
0xe: {  	[sflag:s7] =	ssyncset.done $0x0  }
0xf: {  	s12 =	simm.s32 $0x0;
	[sflag:s7] =	ssyncadd.s32 $0xFFFFF380  }
0x10: {  	[tilespmem:s9], [sflag:$0x1] =	stream.indirect.gather [hbm4b:s1+s8], $0x80, s12, s8, $0xb8;
	[tilespmem:$0x3000] =	vst v63  }
0x11: {  	_ =	swait.ge [sflag:s10], $0x2000  }
0x12: {  	[sflag:s10] =	ssyncset.done $0x0  }
0x13: {  	[sflag:s10] =	ssyncadd.s32 $0xFFFFE000  }
0x14: {  	[hbm4b:s6+s3] =	stream.linear.scatter [tilespmem:s9], [sflag:$0x2], $0x2000, $0x38;
	[tilespmem:$0x3000] =	vst v63  }
0x15: {  	s13 =	simm.s32 $0x200;
	_ =	swait.ge [sflag:s7], $0x2000  }
0x16: {  	s14 =	simm.s32 $0x400;
	s12 =	sadd.s32 $0x400, s6;
	[sflag:s7] =	ssyncset.done $0x0  }
.LBB2_2:
0x17: {  	s15 =	sshra.s32 s13, $0x2  }
0x18: {  	[sflag:s7] =	ssyncadd.s32 $0xFFFFE000;
	s13 =	smov.u32 s14;
	s16 =	sadd.s32 $0x200, s14  }
0x19: {  	[tilespmem:s9], [sflag:$0x1] =	stream.indirect.gather [hbm4b:s1+s8], $0x80, s15, s8, $0xb8;
	[tilespmem:$0x3000] =	vst v63  }
0x1a: {  	p0 =	sne.s32 s14, $0x3000;
	_ =	swait.ge [sflag:s10], $0x2000  }
.Ltmp0:
0x1b: {  	[sflag:s10] =	ssyncset.done $0x0;
	(pc) =	sbr.rel @p0 .LBB2_2-.Ltmp0, $4  }
0x1c: {  	[sflag:s10] =	ssyncadd.s32 $0xFFFFE000  }
0x1d: {  	[hbm4b:s12+s3] =	stream.linear.scatter [tilespmem:s9], [sflag:$0x2], $0x2000, $0x38;
	[tilespmem:$0x3000] =	vst v63  }
0x1e: {  	_ =	swait.ge [sflag:s7], $0x2000  }
0x1f: {  	s14 =	smov.u32 s16;
	s12 =	sadd.s32 $0x400, s12;
	[sflag:s7] =	ssyncset.done $0x0  }
0x20: {  	s13 =	sshra.s32 s13, $0x2;
	[sflag:s7] =	ssyncadd.s32 $0xFFFFE000  }
0x21: {  	[tilespmem:s9], [sflag:$0x1] =	stream.indirect.gather [hbm4b:s1+s8], $0x80, s13, s8, $0xb8;
	[tilespmem:$0x3000] =	vst v63  }
0x22: {  	s11 =	sadd.s32 $0x1, s11;
	_ =	swait.ge [sflag:s10], $0x2000  }
0x23: {  	p0 =	sne.s32 s11, s5;
	[sflag:s10] =	ssyncset.done $0x0  }
.Ltmp1:
0x24: {  	[sflag:s10] =	ssyncadd.s32 $0xFFFFE000;
	(pc) =	sbr.rel @p0 .LBB2_1-.Ltmp1, $4  }
0x25: {  	[hbm4b:s12+s3] =	stream.linear.scatter [tilespmem:s9], [sflag:$0x2], $0x2000, $0x38;
	[tilespmem:$0x3000] =	vst v63  }
0x26: {  	_ =	swait.ge [sflag:s7], $0x2000  }
0x27: {  	[sflag:s7] =	ssyncset.done $0x0  }
0x28: {  	[sflag:s7] =	ssyncadd.s32 $0xFFFFE000  }
0x29: {  	_ =	sfence.sel $0x180000  }
0x2a: {  	[bflag:$0x0] =	sbarrier.arrive $0xFFFF  }
0x2b: {  	p0 =	sne.s32 s2, $0x0;
	_ =	strace $0x90000047  }
0x2c: {  	s0 =	sadd.s32 @!p0 $0x100000, s0;
	[bflag:$0x2] =	sbarrier.arrive $0xFFFF  }
0x2d: {  	[sflag:s0] =	ssyncadd.tile.s32 @!p0 $0x1;
	_ =	shalt  }
.Lfunc_end2:
_tile_overlayer_lowered:
.L_overlay_start_2:
0x2e: {  	(tag) =	ssettag $0x2  }
0x2f: {  	s0 =	rddreg [dreg:$0x0];
	s2 =	stileid.u32  }
0x30: {  	s1 =	rddreg [dreg:$0x1];
	p0 =	sne.s32 s2, $0x0  }
0x31: {  	s3 =	rddreg [dreg:$0x2];
	[bflag:$0x3] =	sbarrier.arrive $0xFFFF;
	s2 =	simm.s32 @!p0 $0x1C02  }
0x32: {  	[timem:s3], [sflag:s2] =	dma.local @!p0 [hbm:s0], s1  }
0x33: {  	s0 =	simm.s32 @!p0 $0x2  }
0x34: {  	_ =	swait.ge @!p0 [sflag:s0], s1  }
0x35: {  	s1 =	ssub.s32 @!p0 $0x0, s1;
	[sflag:s0] =	ssyncset.done @!p0 $0x0  }
0x36: {  	[sflag:s0] =	ssyncadd.s32 @!p0 s1  }
0x37: {  	[bflag:$0x3] =	sbarrier.arrive $0xFFFF  }
0x38: {  	_ =	shalt  }

</sc_bundles>
